<compile_context>
chip_gen: v7x
topology: tpu7x:2x2x1
jax: 0.10.2.dev20260603
libtpu: 0.0.44.dev20260713+nightly
codegen_flags: <defaults>
</compile_context>

<pallas_src>
import functools

import jax
import jax.numpy as jnp
from jax import lax
from jax.experimental import pallas as pl
from jax.experimental.pallas import tpu as pltpu
from jax.experimental.pallas import tpu_sc as plsc

_V = 1000
_L = 128
_CT = 8



def _table_body(w_ref, x_ref, y_ref, d_ref, fidx_ref):
    w = w_ref[...]
    m = jnp.max(w, axis=1)
    s = jnp.sum(jnp.exp(w - m[:, None]), axis=1)
    lse = m + jnp.log(s)
    lse_bc = jnp.broadcast_to(lse[:, None], (_V, _L))
    for ct in range(_CT - 1):
        d_ref[pl.ds(ct * _V, _V), :] = lse_bc - w[:, ct * _L:(ct + 1) * _L]
    wlast = jnp.concatenate(
        [w[:, (_CT - 1) * _L:],
         jnp.zeros((_V, _CT * _L - _V), jnp.float32)], axis=1)
    d_ref[pl.ds((_CT - 1) * _V, _V), :] = lse_bc - wlast
    x = x_ref[...]
    y = y_ref[...]
    fidx = (y >> 7) * (_V * _L) + x * _L + (y & (_L - 1))
    fidx_ref[...] = fidx.reshape(fidx_ref.shape)


def _tc_stage(w, x, y):
    return pl.pallas_call(
        _table_body,
        out_shape=(
            jax.ShapeDtypeStruct((_CT * _V, _L), jnp.float32),
            jax.ShapeDtypeStruct((x.shape[0] * x.shape[1],), jnp.int32),
        ),
    )(w, x, y)



def _make_sc_gather(tok, nc, ns):
    nw = nc * ns
    per_w = tok // nw
    assert tok % nw == 0 and per_w % 16 == 0
    chunks = [(0, per_w)]
    mesh = plsc.VectorSubcoreMesh(core_axis_name="c", subcore_axis_name="s")

    @functools.partial(
        pl.kernel,
        out_type=jax.ShapeDtypeStruct((tok,), jnp.float32),
        mesh=mesh,
        scratch_types=[
            pltpu.VMEM((per_w,), jnp.int32),
            pltpu.VMEM((per_w,), jnp.float32),
            pltpu.SemaphoreType.DMA,
        ],
    )
    def sc_kernel(fidx_hbm, d_hbm, out_hbm, fidx, outv, sem):
        wid = lax.axis_index("s") * nc + lax.axis_index("c")
        base = wid * per_w
        pltpu.sync_copy(fidx_hbm.at[pl.ds(base, per_w)], fidx)
        copies = []
        for off, c in chunks:
            sl = pl.ds(off, c)
            copies.append(pltpu.async_copy(d_hbm.at[fidx.at[sl]], outv.at[sl], sem))
        for cp in copies:
            cp.wait()
        pltpu.sync_copy(outv, out_hbm.at[pl.ds(base, per_w)])

    return sc_kernel


def kernel(x, y, w_embed):
    b, t = x.shape
    tok = b * t
    info = plsc.get_sparse_core_info()
    d_tab, fidx = _tc_stage(w_embed, jnp.swapaxes(x, 0, 1),
                            jnp.swapaxes(y, 0, 1))
    sc = _make_sc_gather(tok, info.num_cores, info.num_subcores)
    loss = sc(fidx, d_tab.reshape(-1))
    return jnp.swapaxes(loss.reshape(t, b), 0, 1)

# --- scband reference (transcript-rebuilt; emitter-appended) ---
"""Pipeline reference for scband-bigram-lm-49563922596444 (READ-ONLY COPY).

The authoritative reference and input builder live on the scoring server;
editing this copy changes nothing except your own understanding.
"""

import jax, jax.numpy as jnp
import numpy as np

VOCAB = 1000


def setup_inputs(seed: int = 0) -> dict:
    key = jax.random.key(seed)
    k1, k2, k3 = jax.random.split(key, 3)
    x = jax.random.randint(k1, (1024, 50), 0, VOCAB, dtype=jnp.int64 if jax.config.jax_enable_x64 else jnp.int32)
    y = jax.random.randint(k2, (1024, 50), 0, VOCAB, dtype=jnp.int64 if jax.config.jax_enable_x64 else jnp.int32)
    # uniform initializer per jax.nn.initializers.uniform() (scale=0.01)
    w_embed = jax.random.uniform(k3, (VOCAB, VOCAB), dtype=jnp.float32) * 0.01
    return {"x": x, "y": y, "w_embed": w_embed}


def reference(x, y, w_embed):
    # logits = self.w_embed[x]  (embedding gather: table row per token)
    logits = jnp.take(w_embed, x, axis=0)
    # targets = one_hot(y); loss = softmax_cross_entropy(logits, targets)
    targets = jax.nn.one_hot(y, num_classes=VOCAB, dtype=logits.dtype)
    log_probs = jax.nn.log_softmax(logits, axis=-1)
    loss = -jnp.sum(targets * log_probs, axis=-1)
    return loss

if __name__ == "__main__":
    import jax
    _d = setup_inputs()
    print(jax.jit(kernel)(*tuple(_d.values())))

</pallas_src>

<mosaic_0001>
#map = affine_map<(d0, d1) -> (0)>
module attributes {stable_mosaic.version = 14 : i64} {
  func.func @sc_kernel(%arg0: i32, %arg1: i32, %arg2: memref<51200xi32, #tpu.memory_space<hbm>>, %arg3: memref<1024000xf32, #tpu.memory_space<hbm>>, %arg4: memref<51200xf32, #tpu.memory_space<hbm>>, %arg5: memref<1600xi32, #tpu.memory_space<vmem>>, %arg6: memref<1600xf32, #tpu.memory_space<vmem>>, %arg7: memref<!tpu.dma_semaphore, #tpu.memory_space<semaphore_mem>>) attributes {dimension_semantics = [#tpu.dimension_semantics<core_parallel>, #tpu.dimension_semantics<subcore_parallel>], iteration_bounds = array<i64: 2, 16>, scalar_prefetch = 0 : i64, scratch_operands = 3 : i64, tpu.core_type = #tpu.core_type<sc_vector_subcore>, window_params = [{transform_indices = #map}, {transform_indices = #map}, {transform_indices = #map}]} {
    %mul3A = arith.constant 2 : i32
    %mul3A_0 = arith.muli %arg1, %mul3A : i32
    %add3A = arith.addi %mul3A_0, %arg0 : i32
    %mul3A_1 = arith.constant 1600 : i32
    %mul3A_2 = arith.muli %add3A, %mul3A_1 : i32
    "tpu.region"() ({
      %run_scoped3A = tpu.sem_alloc : memref<!tpu.dma_semaphore, #tpu.memory_space<semaphore_mem>>
      %dma_start3A_13 = tpu.memref_slice %arg2[%mul3A_2] : memref<51200xi32, #tpu.memory_space<hbm>> -> memref<1600xi32, #tpu.memory_space<hbm>>
      %dma_start3A_14 = tpu.memref_slice %arg2[%mul3A_2] : memref<51200xi32, #tpu.memory_space<hbm>> -> memref<1600xi32, #tpu.memory_space<hbm>>
      tpu.enqueue_dma source(%dma_start3A_14 : memref<1600xi32, #tpu.memory_space<hbm>>) target(%arg5 : memref<1600xi32, #tpu.memory_space<vmem>>) target_semaphore(%run_scoped3A : memref<!tpu.dma_semaphore, #tpu.memory_space<semaphore_mem>>)
      %dma_wait3A_15 = tpu.memref_slice %arg2[%mul3A_2] : memref<51200xi32, #tpu.memory_space<hbm>> -> memref<1600xi32, #tpu.memory_space<hbm>>
      %dma_wait3A_16 = tpu.memref_slice %arg2[%mul3A_2] : memref<51200xi32, #tpu.memory_space<hbm>> -> memref<1600xi32, #tpu.memory_space<hbm>>
      tpu.wait_dma2 semaphore(%run_scoped3A : memref<!tpu.dma_semaphore, #tpu.memory_space<semaphore_mem>>) src(%dma_wait3A_16 : memref<1600xi32, #tpu.memory_space<hbm>>) dst(%arg5 : memref<1600xi32, #tpu.memory_space<vmem>>)
      tpu.yield
    }) : () -> ()
    %dma_start3A = arith.constant 0 : i32
    %dma_start3A_3 = tpu.memref_slice %arg6[%dma_start3A] : memref<1600xf32, #tpu.memory_space<vmem>> -> memref<1600xf32, #tpu.memory_space<vmem>>
    %dma_start3A_4 = arith.constant 0 : i32
    %dma_start3A_5 = tpu.memref_slice %arg5[%dma_start3A_4] : memref<1600xi32, #tpu.memory_space<vmem>> -> memref<1600xi32, #tpu.memory_space<vmem>>
    %dma_start3A_6 = arith.constant 0 : i32
    %dma_start3A_7 = tpu.memref_slice %arg3[%dma_start3A_6] : memref<1024000xf32, #tpu.memory_space<hbm>> -> memref<1024000xf32, #tpu.memory_space<hbm>>
    tpu.enqueue_indirect_dma source(%dma_start3A_7 : memref<1024000xf32, #tpu.memory_space<hbm>>) target(%dma_start3A_3 : memref<1600xf32, #tpu.memory_space<vmem>>) offsets(%dma_start3A_5 : memref<1600xi32, #tpu.memory_space<vmem>>) semaphore(%arg7 : memref<!tpu.dma_semaphore, #tpu.memory_space<semaphore_mem>>)
    %dma_wait3A = arith.constant 0 : i32
    %dma_wait3A_8 = tpu.memref_slice %arg6[%dma_wait3A] : memref<1600xf32, #tpu.memory_space<vmem>> -> memref<1600xf32, #tpu.memory_space<vmem>>
    %dma_wait3A_9 = arith.constant 0 : i32
    %dma_wait3A_10 = tpu.memref_slice %arg5[%dma_wait3A_9] : memref<1600xi32, #tpu.memory_space<vmem>> -> memref<1600xi32, #tpu.memory_space<vmem>>
    %dma_wait3A_11 = arith.constant 0 : i32
    %dma_wait3A_12 = tpu.memref_slice %arg3[%dma_wait3A_11] : memref<1024000xf32, #tpu.memory_space<hbm>> -> memref<1024000xf32, #tpu.memory_space<hbm>>
    tpu.wait_indirect_dma semaphore(%arg7 : memref<!tpu.dma_semaphore, #tpu.memory_space<semaphore_mem>>) src(%dma_wait3A_12 : memref<1024000xf32, #tpu.memory_space<hbm>>) dst(%dma_wait3A_8 : memref<1600xf32, #tpu.memory_space<vmem>>)
    "tpu.region"() ({
      %run_scoped3A = tpu.sem_alloc : memref<!tpu.dma_semaphore, #tpu.memory_space<semaphore_mem>>
      %dma_start3A_13 = tpu.memref_slice %arg4[%mul3A_2] : memref<51200xf32, #tpu.memory_space<hbm>> -> memref<1600xf32, #tpu.memory_space<hbm>>
      %dma_start3A_14 = tpu.memref_slice %arg4[%mul3A_2] : memref<51200xf32, #tpu.memory_space<hbm>> -> memref<1600xf32, #tpu.memory_space<hbm>>
      tpu.enqueue_dma source(%arg6 : memref<1600xf32, #tpu.memory_space<vmem>>) target(%dma_start3A_14 : memref<1600xf32, #tpu.memory_space<hbm>>) target_semaphore(%run_scoped3A : memref<!tpu.dma_semaphore, #tpu.memory_space<semaphore_mem>>)
      %dma_wait3A_15 = tpu.memref_slice %arg4[%mul3A_2] : memref<51200xf32, #tpu.memory_space<hbm>> -> memref<1600xf32, #tpu.memory_space<hbm>>
      %dma_wait3A_16 = tpu.memref_slice %arg4[%mul3A_2] : memref<51200xf32, #tpu.memory_space<hbm>> -> memref<1600xf32, #tpu.memory_space<hbm>>
      tpu.wait_dma2 semaphore(%run_scoped3A : memref<!tpu.dma_semaphore, #tpu.memory_space<semaphore_mem>>) src(%arg6 : memref<1600xf32, #tpu.memory_space<vmem>>) dst(%dma_wait3A_16 : memref<1600xf32, #tpu.memory_space<hbm>>)
      tpu.yield
    }) : () -> ()
    return
  }
}

module attributes {stable_mosaic.version = 14 : i64} {
  func.func @_table_body(%arg0: memref<1000x1000xf32, #tpu.memory_space<vmem>>, %arg1: memref<50x1024xi32, #tpu.memory_space<vmem>>, %arg2: memref<50x1024xi32, #tpu.memory_space<vmem>>, %arg3: memref<8000x128xf32, #tpu.memory_space<vmem>>, %arg4: memref<51200xi32, #tpu.memory_space<vmem>>) attributes {dimension_semantics = [], scalar_prefetch = 0 : i64, scratch_operands = 0 : i64, tpu.core_type = #tpu.core_type<tc>} {
    %get3A = arith.constant 0 : index
    %get3A_0 = arith.constant 0 : index
    %get3A_1 = vector.load %arg0[%get3A, %get3A_0] : memref<1000x1000xf32, #tpu.memory_space<vmem>>, vector<1000x1000xf32>
    %reduce_max3A = arith.constant dense<0xFF800000> : vector<1000xf32>
    %reduce_max3A_2 = vector.multi_reduction <maximumf>, %get3A_1, %reduce_max3A [1] : vector<1000x1000xf32> to vector<1000xf32>
    %broadcast_in_dim3A = vector.shape_cast %reduce_max3A_2 : vector<1000xf32> to vector<1000x1xf32>
    %sub3A = vector.broadcast %broadcast_in_dim3A : vector<1000x1xf32> to vector<1000x1000xf32>
    %sub3A_3 = arith.subf %get3A_1, %sub3A : vector<1000x1000xf32>
    %exp3A = math.exp %sub3A_3 : vector<1000x1000xf32>
    %reduce_sum3A = arith.constant dense<0.000000e+00> : vector<1000xf32>
    %reduce_sum3A_4 = vector.multi_reduction <add>, %exp3A, %reduce_sum3A [1] : vector<1000x1000xf32> to vector<1000xf32>
    %log3A = math.log %reduce_sum3A_4 : vector<1000xf32>
    %add3A = arith.addf %reduce_max3A_2, %log3A : vector<1000xf32>
    %broadcast_in_dim3A_5 = vector.shape_cast %add3A : vector<1000xf32> to vector<1000x1xf32>
    %broadcast_in_dim3A_6 = vector.shape_cast %broadcast_in_dim3A_5 : vector<1000x1xf32> to vector<1000x1xf32>
    %broadcast_in_dim3A_7 = vector.broadcast %broadcast_in_dim3A_6 : vector<1000x1xf32> to vector<1000x128xf32>
    %slice3A = vector.extract_strided_slice %get3A_1 {offsets = [0, 0], sizes = [1000, 128], strides = [1, 1]} : vector<1000x1000xf32> to vector<1000x128xf32>
    %sub3A_8 = arith.subf %broadcast_in_dim3A_7, %slice3A : vector<1000x128xf32>
    %swap3A = arith.constant 0 : index
    %swap3A_9 = arith.constant 0 : index
    %swap3A_10 = vector.load %arg3[%swap3A, %swap3A_9] : memref<8000x128xf32, #tpu.memory_space<vmem>>, vector<1000x128xf32>
    tpu.vector_store %arg3[%swap3A, %swap3A_9], %sub3A_8 {strides = array<i32>} : memref<8000x128xf32, #tpu.memory_space<vmem>>, vector<1000x128xf32>,
    %slice3A_11 = vector.extract_strided_slice %get3A_1 {offsets = [0, 128], sizes = [1000, 128], strides = [1, 1]} : vector<1000x1000xf32> to vector<1000x128xf32>
    %sub3A_12 = arith.subf %broadcast_in_dim3A_7, %slice3A_11 : vector<1000x128xf32>
    %swap3A_13 = arith.constant 1000 : index
    %swap3A_14 = arith.constant 0 : index
    %swap3A_15 = vector.load %arg3[%swap3A_13, %swap3A_14] : memref<8000x128xf32, #tpu.memory_space<vmem>>, vector<1000x128xf32>
    tpu.vector_store %arg3[%swap3A_13, %swap3A_14], %sub3A_12 {strides = array<i32>} : memref<8000x128xf32, #tpu.memory_space<vmem>>, vector<1000x128xf32>,
    %slice3A_16 = vector.extract_strided_slice %get3A_1 {offsets = [0, 256], sizes = [1000, 128], strides = [1, 1]} : vector<1000x1000xf32> to vector<1000x128xf32>
    %sub3A_17 = arith.subf %broadcast_in_dim3A_7, %slice3A_16 : vector<1000x128xf32>
    %swap3A_18 = arith.constant 2000 : index
    %swap3A_19 = arith.constant 0 : index
    %swap3A_20 = vector.load %arg3[%swap3A_18, %swap3A_19] : memref<8000x128xf32, #tpu.memory_space<vmem>>, vector<1000x128xf32>
    tpu.vector_store %arg3[%swap3A_18, %swap3A_19], %sub3A_17 {strides = array<i32>} : memref<8000x128xf32, #tpu.memory_space<vmem>>, vector<1000x128xf32>,
    %slice3A_21 = vector.extract_strided_slice %get3A_1 {offsets = [0, 384], sizes = [1000, 128], strides = [1, 1]} : vector<1000x1000xf32> to vector<1000x128xf32>
    %sub3A_22 = arith.subf %broadcast_in_dim3A_7, %slice3A_21 : vector<1000x128xf32>
    %swap3A_23 = arith.constant 3000 : index
    %swap3A_24 = arith.constant 0 : index
    %swap3A_25 = vector.load %arg3[%swap3A_23, %swap3A_24] : memref<8000x128xf32, #tpu.memory_space<vmem>>, vector<1000x128xf32>
    tpu.vector_store %arg3[%swap3A_23, %swap3A_24], %sub3A_22 {strides = array<i32>} : memref<8000x128xf32, #tpu.memory_space<vmem>>, vector<1000x128xf32>,
    %slice3A_26 = vector.extract_strided_slice %get3A_1 {offsets = [0, 512], sizes = [1000, 128], strides = [1, 1]} : vector<1000x1000xf32> to vector<1000x128xf32>
    %sub3A_27 = arith.subf %broadcast_in_dim3A_7, %slice3A_26 : vector<1000x128xf32>
    %swap3A_28 = arith.constant 4000 : index
    %swap3A_29 = arith.constant 0 : index
    %swap3A_30 = vector.load %arg3[%swap3A_28, %swap3A_29] : memref<8000x128xf32, #tpu.memory_space<vmem>>, vector<1000x128xf32>
    tpu.vector_store %arg3[%swap3A_28, %swap3A_29], %sub3A_27 {strides = array<i32>} : memref<8000x128xf32, #tpu.memory_space<vmem>>, vector<1000x128xf32>,
    %slice3A_31 = vector.extract_strided_slice %get3A_1 {offsets = [0, 640], sizes = [1000, 128], strides = [1, 1]} : vector<1000x1000xf32> to vector<1000x128xf32>
    %sub3A_32 = arith.subf %broadcast_in_dim3A_7, %slice3A_31 : vector<1000x128xf32>
    %swap3A_33 = arith.constant 5000 : index
    %swap3A_34 = arith.constant 0 : index
    %swap3A_35 = vector.load %arg3[%swap3A_33, %swap3A_34] : memref<8000x128xf32, #tpu.memory_space<vmem>>, vector<1000x128xf32>
    tpu.vector_store %arg3[%swap3A_33, %swap3A_34], %sub3A_32 {strides = array<i32>} : memref<8000x128xf32, #tpu.memory_space<vmem>>, vector<1000x128xf32>,
    %slice3A_36 = vector.extract_strided_slice %get3A_1 {offsets = [0, 768], sizes = [1000, 128], strides = [1, 1]} : vector<1000x1000xf32> to vector<1000x128xf32>
    %sub3A_37 = arith.subf %broadcast_in_dim3A_7, %slice3A_36 : vector<1000x128xf32>
    %swap3A_38 = arith.constant 6000 : index
    %swap3A_39 = arith.constant 0 : index
    %swap3A_40 = vector.load %arg3[%swap3A_38, %swap3A_39] : memref<8000x128xf32, #tpu.memory_space<vmem>>, vector<1000x128xf32>
    tpu.vector_store %arg3[%swap3A_38, %swap3A_39], %sub3A_37 {strides = array<i32>} : memref<8000x128xf32, #tpu.memory_space<vmem>>, vector<1000x128xf32>,
    %slice3A_41 = vector.extract_strided_slice %get3A_1 {offsets = [0, 896], sizes = [1000, 104], strides = [1, 1]} : vector<1000x1000xf32> to vector<1000x104xf32>
    %broadcast_in_dim3A_42 = arith.constant 0.000000e+00 : f32
    %broadcast_in_dim3A_43 = vector.broadcast %broadcast_in_dim3A_42 : f32 to vector<1000x24xf32>
    %concatenate3A = tpu.concatenate %slice3A_41, %broadcast_in_dim3A_43 in 1 : vector<1000x104xf32>, vector<1000x24xf32> -> vector<1000x128xf32>
    %sub3A_44 = arith.subf %broadcast_in_dim3A_7, %concatenate3A : vector<1000x128xf32>
    %swap3A_45 = arith.constant 7000 : index
    %swap3A_46 = arith.constant 0 : index
    %swap3A_47 = vector.load %arg3[%swap3A_45, %swap3A_46] : memref<8000x128xf32, #tpu.memory_space<vmem>>, vector<1000x128xf32>
    tpu.vector_store %arg3[%swap3A_45, %swap3A_46], %sub3A_44 {strides = array<i32>} : memref<8000x128xf32, #tpu.memory_space<vmem>>, vector<1000x128xf32>,
    %get3A_48 = arith.constant 0 : index
    %get3A_49 = arith.constant 0 : index
    %get3A_50 = vector.load %arg1[%get3A_48, %get3A_49] : memref<50x1024xi32, #tpu.memory_space<vmem>>, vector<50x1024xi32>
    %get3A_51 = arith.constant 0 : index
    %get3A_52 = arith.constant 0 : index
    %get3A_53 = vector.load %arg2[%get3A_51, %get3A_52] : memref<50x1024xi32, #tpu.memory_space<vmem>>, vector<50x1024xi32>
    %shift_right_arithmetic3A = arith.constant 7 : i32
    %shift_right_arithmetic3A_54 = vector.broadcast %shift_right_arithmetic3A : i32 to vector<50x1024xi32>
    %shift_right_arithmetic3A_55 = arith.shrsi %get3A_53, %shift_right_arithmetic3A_54 : vector<50x1024xi32>
    %mul3A = arith.constant 128000 : i32
    %mul3A_56 = vector.broadcast %mul3A : i32 to vector<50x1024xi32>
    %mul3A_57 = arith.muli %shift_right_arithmetic3A_55, %mul3A_56 : vector<50x1024xi32>
    %mul3A_58 = arith.constant 128 : i32
    %mul3A_59 = vector.broadcast %mul3A_58 : i32 to vector<50x1024xi32>
    %mul3A_60 = arith.muli %get3A_50, %mul3A_59 : vector<50x1024xi32>
    %add3A_61 = arith.addi %mul3A_57, %mul3A_60 : vector<50x1024xi32>
    %and3A = arith.constant 127 : i32
    %and3A_62 = vector.broadcast %and3A : i32 to vector<50x1024xi32>
    %and3A_63 = arith.andi %get3A_53, %and3A_62 : vector<50x1024xi32>
    %add3A_64 = arith.addi %add3A_61, %and3A_63 : vector<50x1024xi32>
    %reshape3A = vector.shape_cast %add3A_64 : vector<50x1024xi32> to vector<51200xi32>
    %swap3A_65 = arith.constant 0 : index
    %swap3A_66 = vector.load %arg4[%swap3A_65] : memref<51200xi32, #tpu.memory_space<vmem>>, vector<51200xi32>
    tpu.vector_store %arg4[%swap3A_65], %reshape3A {strides = array<i32>} : memref<51200xi32, #tpu.memory_space<vmem>>, vector<51200xi32>,
    return
  }
}

</mosaic_0001>

<sc_bundles>
// kernel: kernel.4.cloned.1.call-start
scs
__scs_entry_jumppad:
0x0: {  	(pc) =	sbr.rel $0x88, $3  }
0x1: {  	(tag) =	ssettag $0x0;
	lr =	simm.s32 $0x1  }
0x2: {  	[smem:$0x3F9E] =	sst lr;
	_ =	strace $0xD0000000  }
0x3: {  	_ = 	snop  }
0x4: {  	_ = 	snop  }
0x5: {  	_ = 	snop  }
0x6: {  	_ = 	snop  }
0x7: {  	_ = 	snop  }
__scs_overlays_trampoline_lowered:
0x8: {  	[smem:$0x3FAD] =	sst s0  }
0x9: {  	[smem:$0x3FAE] =	sst s1  }
0xa: {  	[smem:$0x3FAF] =	sst s2  }
0xb: {  	[smem:$0x3FB0] =	sst s3  }
0xc: {  	[smem:$0x3FB1] =	sst s4  }
0xd: {  	[smem:$0x3FB2] =	sst s5  }
0xe: {  	[smem:$0x3FB3] =	sst s6  }
0xf: {  	[smem:$0x3FB4] =	sst s7  }
0x10: {  	[smem:$0x3FB5] =	sst s8  }
0x11: {  	[smem:$0x3FB6] =	sst s9;
	s0 =	simm.s32 @!p0 $0x0  }
0x12: {  	s1 =	sld [smem:$0x3F9C];
	s0 =	simm.s32 @p0 $0x1  }
0x13: {  	[smem:$0x3FB7] =	sst s0;
	s0 =	simm.s32 @!p1 $0x0  }
0x14: {  	s2 =	sld [smem:$0x3F9B];
	s0 =	simm.s32 @p1 $0x1  }
0x15: {  	[smem:$0x3FB8] =	sst s0;
	s0 =	simm.s32 @!p2 $0x0  }
0x16: {  	s3 =	sld [smem:$0x3FDB];
	s0 =	simm.s32 @p2 $0x1  }
0x17: {  	s4 =	simm.s32 $0x1BF5;
	[smem:$0x3FBA] =	sst s0  }
0x18: {  	s0 =	sld [smem:$0x3F9D];
	_ =	swait.ge [sflag:s4], $0x0  }
0x19: {  	s7 =	sld [smem:$0x3F9E]  }
0x1a: {  	s8 =	sadd.s32 $0xFFFFE003, lr  }
0x1b: {  	s9 =	sadd.s32 $0xFFFFFEF7, lr;
	s5 =	simm.s32 $0xFFFFFFFF;
	p2 =	slt.u32 s8, $0xFFFFF086  }
0x1c: {  	p1 =	slt.u32 s9, $0xF7A;
	s5 =	simm.s32 @!p2 $0x0  }
0x1d: {  	s5 =	simm.s32 @p1 $0x1;
	p0 =	seq.s32 s7, s2  }
0x1e: {  	s7 =	smul.u32 @!p0 $0xF7A, s2;
	p2 =	seq.s32 @!p0 s5, $0x0  }
0x1f: {  	s9 =	smul.u32 $0xF7A, s1;
	s8 =	simm.s32 @!p0 $0x1BF5;
	p2 =	por !p2, p0  }
0x20: {  	[sflag:s8] =	ssyncset.s32 @!p0 $0xFFFFF086;
	s6 =	sadd.s32 @!p0 s3, s7;
	s7 =	simm.s32 @!p0 $0x108  }
0x21: {  	s3 =	sadd.s32 s3, s9;
	s6 =	sadd.s32 @!p0 $0x88, s6;
	s7 =	simm.s32 @p2 $0x1082  }
0x22: {  	[simem:s7], [sflag:s8] =	dma.local @!p0 [hbm:s6], $0xF7A  }
0x23: {  	s9 =	sor.u32 $0xD0000000, s2;
	s6 =	simm.s32 $0x108;
	_ =	swait.ge @!p0 [sflag:s8], $0x0  }
0x24: {  	s3 =	sadd.s32 $0x88, s3;
	s6 =	simm.s32 @!p1 $0x1082;
	[sflag:s4] =	ssyncset.s32 $0xFFFFF086  }
0x25: {  	[simem:s6], [sflag:s4] =	dma.local [hbm:s3], $0xF7A  }
0x26: {  	[smem:$0x3F9E] =	sst s1;
	(tag) =	ssettag s2;
	_ =	strace s9  }
0x27: {  	s1 =	sld [smem:$0x3FAE]  }
0x28: {  	s2 =	sld [smem:$0x3FAF]  }
0x29: {  	s4 =	sld [smem:$0x3FB1]  }
0x2a: {  	p0 =	seq.s32 s5, $0x0;
	s5 =	sld [smem:$0x3FB2]  }
0x2b: {  	s6 =	sld [smem:$0x3FB3]  }
0x2c: {  	s7 =	sld [smem:$0x3FB4]  }
0x2d: {  	s3 =	simm.s32 $0x108;
	s8 =	sld [smem:$0x3FB5]  }
0x2e: {  	s3 =	simm.s32 @!p0 $0x1082;
	s9 =	sld [smem:$0x3FB6]  }
0x2f: {  	lr =	sadd.s32 s0, s3;
	s0 =	sld [smem:$0x3FAD]  }
0x30: {  	s3 =	sld [smem:$0x3FB0]  }
0x31: {  	[smem:$0x3FB9] =	sst s10  }
0x32: {  	s10 =	sld [smem:$0x3FB7];
	_ =	sdelay $0x3  }
0x33: {  	p0 =	seq.s32 s10, $0x1;
	s10 =	sld [smem:$0x3FB9];
	_ =	sdelay $0x3  }
0x34: {  	[smem:$0x3FB9] =	sst s10  }
0x35: {  	s10 =	sld [smem:$0x3FB8];
	_ =	sdelay $0x3  }
0x36: {  	p1 =	seq.s32 s10, $0x1;
	s10 =	sld [smem:$0x3FB9];
	_ =	sdelay $0x3  }
0x37: {  	[smem:$0x3FB9] =	sst s10  }
0x38: {  	s10 =	sld [smem:$0x3FBA]  }
0x39: {  	_ = 	snop;
	(pc) =	sbr.ind lr, $3  }
0x3a: {  	_ = 	snop  }
0x3b: {  	_ = 	snop  }
0x3c: {  	p2 =	seq.s32 s10, $0x1;
	s10 =	sld [smem:$0x3FB9]  }
0x3d: {  	_ =	shalt  }
0x3e: {  	_ =	shalt  }
0x3f: {  	_ =	shalt  }
0x40: {  	_ =	shalt  }
0x41: {  	_ =	shalt  }
0x42: {  	_ =	shalt  }
0x43: {  	_ =	shalt  }
0x44: {  	_ =	shalt  }
0x45: {  	_ =	shalt  }
0x46: {  	_ =	shalt  }
0x47: {  	_ =	shalt  }
0x48: {  	_ =	shalt  }
0x49: {  	_ =	shalt  }
0x4a: {  	_ =	shalt  }
0x4b: {  	_ =	shalt  }
0x4c: {  	_ =	shalt  }
0x4d: {  	_ =	shalt  }
0x4e: {  	_ =	shalt  }
0x4f: {  	_ =	shalt  }
0x50: {  	_ =	shalt  }
0x51: {  	_ =	shalt  }
0x52: {  	_ =	shalt  }
0x53: {  	_ =	shalt  }
0x54: {  	_ =	shalt  }
0x55: {  	_ =	shalt  }
0x56: {  	_ =	shalt  }
0x57: {  	_ =	shalt  }
0x58: {  	_ =	shalt  }
0x59: {  	_ =	shalt  }
0x5a: {  	_ =	shalt  }
0x5b: {  	_ =	shalt  }
0x5c: {  	_ =	shalt  }
0x5d: {  	_ =	shalt  }
0x5e: {  	_ =	shalt  }
0x5f: {  	_ =	shalt  }
0x60: {  	_ =	shalt  }
0x61: {  	_ =	shalt  }
0x62: {  	_ =	shalt  }
0x63: {  	_ =	shalt  }
0x64: {  	_ =	shalt  }
0x65: {  	_ =	shalt  }
0x66: {  	_ =	shalt  }
0x67: {  	_ =	shalt  }
0x68: {  	_ =	shalt  }
0x69: {  	_ =	shalt  }
0x6a: {  	_ =	shalt  }
0x6b: {  	_ =	shalt  }
0x6c: {  	_ =	shalt  }
0x6d: {  	_ =	shalt  }
0x6e: {  	_ =	shalt  }
0x6f: {  	_ =	shalt  }
0x70: {  	_ =	shalt  }
0x71: {  	_ =	shalt  }
0x72: {  	_ =	shalt  }
0x73: {  	_ =	shalt  }
0x74: {  	_ =	shalt  }
0x75: {  	_ =	shalt  }
0x76: {  	_ =	shalt  }
0x77: {  	_ =	shalt  }
0x78: {  	_ =	shalt  }
0x79: {  	_ =	shalt  }
0x7a: {  	_ =	shalt  }
0x7b: {  	_ =	shalt  }
0x7c: {  	_ =	shalt  }
0x7d: {  	_ =	shalt  }
0x7e: {  	_ =	shalt  }
0x7f: {  	_ =	shalt  }
0x80: {  	_ =	shalt  }
0x81: {  	_ =	shalt  }
0x82: {  	_ =	shalt  }
0x83: {  	_ =	shalt  }
0x84: {  	_ =	shalt  }
0x85: {  	_ =	shalt  }
0x86: {  	_ =	shalt  }
0x87: {  	_ =	shalt  }
.Lfunc_end0:
.L_simem_size_0:
called_computation_lowered:
.L_overlay_start_0:
0x88: {  	s2 =	sld [smem:$0x3FD9]  }
0x89: {  	s3 =	sld [smem:$0x3FFE];
	_ =	sdelay $0x1  }
0x8a: {  	s1 =	srdreg.scid  }
0x8b: {  	s0 =	sand.u32 $0x1, s1  }
0x8c: {  	s17 =	sshll.u32 s0, $0xA;
	s2 =	sadd.s32 s3, s2  }
0x8d: {  	s2 =	sadd.s32 s2, s17  }
0x8e: {  	[smem:$0x3FC5] =	sst s2  }
0x8f: {  	_ = 	snop  }
0x90: {  	s2 =	sld [smem:$0x3FD0];
	(tm) =	ssettm $0x1  }
0x91: {  	s18 =	sld [smem:$0x3FFB];
	_ =	sdelay $0x3  }
0x92: {  	_ =	strace s18  }
0x93: {  	s3 =	sld [smem:$0x3FFC];
	_ =	sdelay $0x3  }
0x94: {  	_ =	strace s3  }
0x95: {  	s3 =	sld [smem:$0x3FFD];
	_ =	sdelay $0x3  }
0x96: {  	_ =	strace s3  }
0x97: {  	_ =	strace $0x8FFFFFFF  }
0x98: {  	s19 =	sld [smem:$0x3FDB];
	_ =	sdelay $0x1  }
0x99: {  	s4 =	simm.s32 $_scs_section_size  }
0x9a: {  	s5 =	simm.s32 $_size__tile_overlayer_lowered;
	s6 =	simm.s32 $_tile_overlayer_lowered  }
0x9b: {  	s22 =	simm.s32 $0x1BFF;
	s21 =	sshll.u32 s6, $0x1;
	s3 =	sadd.s32 s4, s19  }
0x9c: {  	s7 =	simm.s32 $0x0;
	s20 =	sshll.u32 s5, $0x1;
	s5 =	sadd.s32 s21, s3  }
0x9d: {  	[timem:s7], [sflag:s22] =	dma.local [hbm:s5], s20  }
0x9e: {  	_ =	swait.ge [sflag:s22], s20  }
0x9f: {  	s4 =	ssub.s32 $0x0, s20;
	[sflag:s22] =	ssyncset.done $0x0  }
0xa0: {  	[sflag:s22] =	ssyncadd.s32 s4;
	_ =	sdelay $0x1  }
0xa1: {  	s23 =	simm.s32 $0x1B8B  }
0xa2: {  	_ =	swait.ge [sflag:s23], $0x1  }
0xa3: {  	[sflag:s23] =	ssyncset.done $0x0  }
0xa4: {  	s25 =	simm.s32 $0x1B8E;
	s24 =	sld [smem:$0x3FFE];
	[sflag:s23] =	ssyncadd.s32 $0xFFFFFFFF  }
0xa5: {  	s26 =	simm.s32 $execute0_lowered;
	[smem:$0x3FD2] =	sst s25  }
0xa6: {  	s5 =	sshll.u32 s26, $0x1;
	_ =	strace $0x80000046;
	[dreg:$0x1] =	wrdreg $0xFFFFFFFF  }
0xa7: {  	s28 =	simm.s32 $_size_execute0_lowered;
	s3 =	sadd.s32 s3, s5;
	[dreg:$0x0] =	wrdreg $0x0  }
0xa8: {  	s5 =	sshll.u32 s28, $0x1;
	[dreg:$0x2] =	wrdreg s3  }
0xa9: {  	[dreg:$0x3] =	wrdreg s5  }
0xaa: {  	[dreg:$0x4] =	wrdreg $0xC0  }
0xab: {  	_ =	task [dreg:s7], $0x5FFFF  }
0xac: {  	[dreg:$0x1] =	wrdreg $0xFFFFFFFF  }
0xad: {  	[dreg:$0x0] =	wrdreg $0x60  }
0xae: {  	[dreg:$0x2] =	wrdreg s2  }
0xaf: {  	[dreg:$0x3] =	wrdreg s24  }
0xb0: {  	[dreg:$0x4] =	wrdreg $0x9  }
0xb1: {  	_ =	task.clear_ibuf [dreg:s7], $0x5FFFF;
	_ =	strace $0x90000046  }
0xb2: {  	s29 =	simm.s32 $0x9;
	_ =	strace $0x80000048  }
0xb3: {  	_ =	swait.ge [sflag:s29], $0x1  }
0xb4: {  	[sflag:s29] =	ssyncadd.s32 $0xFFFFFFFF  }
0xb5: {  	_ =	strace $0x90000048  }
0xb6: {  	_ =	sfence  }
0xb7: {  	s30 =	sld [smem:$0x0];
	_ =	sdelay $0x2  }
0xb8: {  	s31 =	sshll.u32 s1, $0xD;
	s1 =	sshrl.u32 s1, $0x2  }
0xb9: {  	s3 =	sand.u32 $0x4000, s31;
	s1 =	sadd.s32 s1, s30  }
0xba: {  	s0 =	sor.u32 s3, s0;
	s1 =	sshll.u32 s1, $0x11  }
0xbb: {  	s0 =	sor.u32 s1, s0  }
0xbc: {  	s0 =	sadd.s32 $0x8F2B, s0  }
0xbd: {  	[sflag:s0] =	ssyncadd.remote.s32 $0x1  }
0xbe: {  	_ =	sfence.sel $0xFFFF  }
0xbf: {  	[dreg:$0x0] =	wrdreg $0xFFFFFFFF;
	(pc) =	sbr.abs _section_cstart, $3  }
0xc0: {  	[dreg:$0x1] =	wrdreg $0xFFFFFFFF  }
0xc1: {  	_ =	task.clear_ibuf [dreg:s7], $0x2FFFF;
	_ =	strace $0x9FFFFFFF  }
0xc2: {  	(tm) =	ssettm $0x7FFFFFFF  }
0xc3: {  	_ =	shalt  }
tec
execute0_lowered:
.L_overlay_start_1:
0x0: {  	(tag) =	ssettag $0x1  }
0x1: {  	s1 =	srdreg.scid;
	s0 =	stileid.u32  }
0x2: {  	s3 =	rddreg [dreg:$0x0];
	s6 =	sand.u32 $0x1, s1;
	s30 =	sshll.u32 s0, $0x1  }
0x3: {  	s9 =	rddreg [dreg:$0x1];
	s2 =	simm.s32 $0x0;
	s4 =	sor.u32 s6, s30  }
0x4: {  	s7 =	simm.s32 $0x680;
	[smem:$0x7FF] =	sst s2;
	s10 =	smul.u32 $0xC8, s4  }
0x5: {  	s8 =	simm.s32 $0x1;
	s1 =	rddreg [dreg:$0x2];
	_ =	strace $0x80000047  }
0x6: {  	s11 =	ssub.s32 $0x2, s6;
	s4 =	sadd.s32 s3, s10;
	s3 =	simm.s32 $0x2  }
0x7: {  	[tilespmem:s2], [sflag:$0x2] =	stream.linear.gather [hbm4b:s4+s2], $0x640, $0x38;
	[tilespmem:$0xD00] =	vst v63  }
0x8: {  	s5 =	sadd.s32 $0x1000, s9;
	s12 =	sshrl.u32 s11, $0x1;
	_ =	swait.ge [sflag:s3], $0x640  }
0x9: {  	s6 =	simm.s32 $0x640;
	s31 =	ssub.s32 s11, s12;
	[sflag:s3] =	ssyncset.done $0x0  }
0xa: {  	s9 =	sadd.s32 s10, s9;
	s10 =	smax.u32 s31, $0x1;
	[sflag:s3] =	ssyncadd.s32 $0xFFFFF9C0  }
0xb: {  	[tilespmem:s7], [sflag:$0x1] =	stream.indirect.gather [hbm4b:s5+s6], $0x1, s2, s6, $0xb8;
	[tilespmem:$0xD00] =	vst v63  }
0xc: {  	p0 =	sne.s32 s10, $0x1;
	_ =	swait.ge [sflag:s8], $0x640  }
.Ltmp0:
0xd: {  	[sflag:s8] =	ssyncset.done $0x0;
	(pc) =	sbr.rel @!p0 .LBB2_2-.Ltmp0, $4  }
0xe: {  	s9 =	sadd.s32 $0x20400, s9;
	[sflag:s8] =	ssyncadd.s32 $0xFFFFF9C0  }
0xf: {  	[hbm4b:s9+s2] =	stream.linear.scatter [tilespmem:s7], [sflag:$0x2], $0x640, $0x38;
	[tilespmem:$0xD00] =	vst v63  }
0x10: {  	_ =	swait.ge [sflag:s3], $0x640  }
0x11: {  	s10 =	sadd.s32 $0xFFFFFFFF, s10;
	[sflag:s3] =	ssyncset.done $0x0  }
.LBB2_1:
0x12: {  	p0 =	sne.s32 s10, $0x1;
	s10 =	sadd.s32 $0xFFFFFFFF, s10;
	[sflag:s3] =	ssyncadd.s32 $0xFFFFF9C0  }
0x13: {  	[tilespmem:s2], [sflag:$0x2] =	stream.linear.gather [hbm4b:s4+s2], $0x640, $0x38;
	[tilespmem:$0xD00] =	vst v63  }
0x14: {  	_ =	swait.ge [sflag:s3], $0x640  }
0x15: {  	[sflag:s3] =	ssyncset.done $0x0  }
0x16: {  	[sflag:s3] =	ssyncadd.s32 $0xFFFFF9C0  }
0x17: {  	[tilespmem:s7], [sflag:$0x1] =	stream.indirect.gather [hbm4b:s5+s6], $0x1, s2, s6, $0xb8;
	[tilespmem:$0xD00] =	vst v63  }
0x18: {  	_ =	swait.ge [sflag:s8], $0x640  }
.Ltmp1:
0x19: {  	[sflag:s8] =	ssyncset.done $0x0;
	(pc) =	sbr.rel @p0 .LBB2_1-.Ltmp1, $4  }
0x1a: {  	[sflag:s8] =	ssyncadd.s32 $0xFFFFF9C0  }
0x1b: {  	[hbm4b:s9+s2] =	stream.linear.scatter [tilespmem:s7], [sflag:$0x2], $0x640, $0x38;
	[tilespmem:$0xD00] =	vst v63  }
0x1c: {  	_ =	swait.ge [sflag:s3], $0x640  }
0x1d: {  	[sflag:s3] =	ssyncset.done $0x0  }
.LBB2_2:
0x1e: {  	[sflag:s3] =	ssyncadd.s32 $0xFFFFF9C0  }
0x1f: {  	_ =	sfence.sel $0x180000  }
0x20: {  	[bflag:$0x0] =	sbarrier.arrive $0xFFFF  }
0x21: {  	p0 =	sne.s32 s0, $0x0;
	_ =	strace $0x90000047  }
0x22: {  	s0 =	sadd.s32 @!p0 $0x100000, s1;
	[bflag:$0x2] =	sbarrier.arrive $0xFFFF  }
0x23: {  	[sflag:s0] =	ssyncadd.tile.s32 @!p0 $0x1;
	_ =	shalt  }
.Lfunc_end2:
_tile_overlayer_lowered:
.L_overlay_start_2:
0x24: {  	(tag) =	ssettag $0x2  }
0x25: {  	s0 =	rddreg [dreg:$0x0];
	s2 =	stileid.u32  }
0x26: {  	s1 =	rddreg [dreg:$0x1];
	p0 =	sne.s32 s2, $0x0  }
0x27: {  	s3 =	rddreg [dreg:$0x2];
	[bflag:$0x3] =	sbarrier.arrive $0xFFFF;
	s2 =	simm.s32 @!p0 $0x1C02  }
0x28: {  	[timem:s3], [sflag:s2] =	dma.local @!p0 [hbm:s0], s1  }
0x29: {  	s0 =	simm.s32 @!p0 $0x2  }
0x2a: {  	_ =	swait.ge @!p0 [sflag:s0], s1  }
0x2b: {  	s1 =	ssub.s32 @!p0 $0x0, s1;
	[sflag:s0] =	ssyncset.done @!p0 $0x0  }
0x2c: {  	[sflag:s0] =	ssyncadd.s32 @!p0 s1  }
0x2d: {  	[bflag:$0x3] =	sbarrier.arrive $0xFFFF  }
0x2e: {  	_ =	shalt  }

</sc_bundles>
